<compile_context>
chip_gen: v7x
topology: tpu7x:2x2x1
jax: 0.10.2.dev20260603
libtpu: 0.0.44.dev20260713+nightly
codegen_flags: <defaults>
</compile_context>

<pallas_src>
import functools

import jax
import jax.numpy as jnp
from jax import lax
from jax.experimental import pallas as pl
from jax.experimental.pallas import tpu as pltpu
from jax.experimental.pallas import tpu_sc as plsc

_CHUNK = 200
_NBUF = 4
_LOOKAHEAD = 2


def _make_gather(B, D, nw, nc, chunk, nbuf, la):
    b_per_w = B // nw
    n = b_per_w // chunk
    assert b_per_w % chunk == 0 and n % nbuf == 0 and n >= 2 * nbuf
    assert 0 < la < nbuf
    mesh = plsc.VectorSubcoreMesh(core_axis_name="c", subcore_axis_name="s")

    @functools.partial(
        pl.kernel,
        mesh=mesh,
        out_type=jax.ShapeDtypeStruct((B, D), jnp.float32),
        scratch_types=(
            [pltpu.VMEM((b_per_w,), jnp.int32)]
            + [pltpu.VMEM((chunk, D), jnp.float32) for _ in range(nbuf)]
            + [pltpu.SemaphoreType.DMA for _ in range(2 * nbuf)]
        ),
    )
    def k(idx_hbm, table_hbm, out_hbm, idx_v, *bufs_sems):
        bufs = bufs_sems[:nbuf]
        sg = bufs_sems[nbuf : 2 * nbuf]
        sw = bufs_sems[2 * nbuf :]
        wid = lax.axis_index("s") * nc + lax.axis_index("c")
        base = wid * b_per_w
        pltpu.sync_copy(idx_hbm.at[pl.ds(base, b_per_w)], idx_v)

        def start_gather(c, b):
            off = pl.multiple_of(c * chunk, 8)
            pltpu.make_async_copy(
                table_hbm.at[idx_v.at[pl.ds(off, chunk)]], bufs[b], sg[b]
            ).start()

        def wait_gather(b):
            pltpu.make_async_copy(
                table_hbm.at[idx_v.at[pl.ds(0, chunk)]], bufs[b], sg[b]
            ).wait()

        def start_write(c, b):
            off = pl.multiple_of(base + c * chunk, 8)
            pltpu.make_async_copy(
                bufs[b], out_hbm.at[pl.ds(off, chunk)], sw[b]
            ).start()

        def wait_write(b):
            pltpu.make_async_copy(
                bufs[b], out_hbm.at[pl.ds(0, chunk)], sw[b]
            ).wait()

        for c in range(la):
            start_gather(c, c)
        for c in range(nbuf - la):
            start_gather(c + la, c + la)
            wait_gather(c % nbuf)
            start_write(c, c % nbuf)

        c0 = nbuf - la

        def body(j, carry):
            for i in range(nbuf):
                c = c0 + j * nbuf + i
                bf = (c0 + i + la) % nbuf
                bc = (c0 + i) % nbuf
                wait_write(bf)
                start_gather(c + la, bf)
                wait_gather(bc)
                start_write(c, bc)
            return carry

        lax.fori_loop(0, (n - nbuf) // nbuf, body, 0, unroll=False)

        for c in range(n - la, n):
            wait_gather(c % nbuf)
            start_write(c, c % nbuf)
        for b in range(nbuf):
            wait_write(b)

    return k


def kernel(x, pe_weight):
    B = x.shape[0] * x.shape[1]
    D = pe_weight.shape[1]
    info = plsc.get_sparse_core_info()
    nw = info.num_cores * info.num_subcores
    xf = x.reshape(B).astype(jnp.int32)
    out = _make_gather(B, D, nw, info.num_cores, _CHUNK, _NBUF, _LOOKAHEAD)(
        xf, pe_weight
    )
    return out.reshape(x.shape[0], x.shape[1], D)

# --- scband reference (transcript-rebuilt; emitter-appended) ---
"""Pipeline reference for scband-positional-embedding-60911226192475 (READ-ONLY COPY).

The authoritative reference and input builder live on the scoring server;
editing this copy changes nothing except your own understanding.
"""

import jax, jax.numpy as jnp
import numpy as np

N_DATASETS = 100000
HIDDEN_DIM = 128

def setup_inputs(seed: int = 0) -> dict:
    key = jax.random.key(seed)
    k1, k2 = jax.random.split(key)
    x = jax.random.randint(k1, (4096, 200), 0, N_DATASETS, dtype=jnp.int64 if jax.config.jax_enable_x64 else jnp.int32)
    pe_weight = jax.random.normal(k2, (N_DATASETS, HIDDEN_DIM), dtype=jnp.float32)
    return {"x": x, "pe_weight": pe_weight}

def reference(x, pe_weight):
    # PositionalEmbedding -> PositionalEmbeddingTrainable -> nn.Embedding lookup
    return jnp.take(pe_weight, x, axis=0)

if __name__ == "__main__":
    import jax
    _d = setup_inputs()
    print(jax.jit(kernel)(*tuple(_d.values())))

</pallas_src>

<mosaic_0001>
#map = affine_map<(d0, d1) -> (0)>
#map1 = affine_map<(d0, d1) -> (0, 0)>
module attributes {stable_mosaic.version = 14 : i64} {
  func.func @k(%arg0: i32, %arg1: i32, %arg2: memref<819200xi32, #tpu.memory_space<hbm>>, %arg3: memref<100000x128xf32, #tpu.memory_space<hbm>>, %arg4: memref<819200x128xf32, #tpu.memory_space<hbm>>, %arg5: memref<25600xi32, #tpu.memory_space<vmem>>, %arg6: memref<200x128xf32, #tpu.memory_space<vmem>>, %arg7: memref<200x128xf32, #tpu.memory_space<vmem>>, %arg8: memref<200x128xf32, #tpu.memory_space<vmem>>, %arg9: memref<200x128xf32, #tpu.memory_space<vmem>>, %arg10: memref<!tpu.dma_semaphore, #tpu.memory_space<semaphore_mem>>, %arg11: memref<!tpu.dma_semaphore, #tpu.memory_space<semaphore_mem>>, %arg12: memref<!tpu.dma_semaphore, #tpu.memory_space<semaphore_mem>>, %arg13: memref<!tpu.dma_semaphore, #tpu.memory_space<semaphore_mem>>, %arg14: memref<!tpu.dma_semaphore, #tpu.memory_space<semaphore_mem>>, %arg15: memref<!tpu.dma_semaphore, #tpu.memory_space<semaphore_mem>>, %arg16: memref<!tpu.dma_semaphore, #tpu.memory_space<semaphore_mem>>, %arg17: memref<!tpu.dma_semaphore, #tpu.memory_space<semaphore_mem>>) attributes {dimension_semantics = [#tpu.dimension_semantics<core_parallel>, #tpu.dimension_semantics<subcore_parallel>], iteration_bounds = array<i64: 2, 16>, scalar_prefetch = 0 : i64, scratch_operands = 13 : i64, tpu.core_type = #tpu.core_type<sc_vector_subcore>, window_params = [{transform_indices = #map}, {transform_indices = #map1}, {transform_indices = #map1}]} {
    %mul3A = arith.constant 2 : i32
    %mul3A_0 = arith.muli %arg1, %mul3A : i32
    %add3A = arith.addi %mul3A_0, %arg0 : i32
    %mul3A_1 = arith.constant 25600 : i32
    %mul3A_2 = arith.muli %add3A, %mul3A_1 : i32
    "tpu.region"() ({
      %run_scoped3A = tpu.sem_alloc : memref<!tpu.dma_semaphore, #tpu.memory_space<semaphore_mem>>
      %dma_start3A_101 = tpu.memref_slice %arg2[%mul3A_2] : memref<819200xi32, #tpu.memory_space<hbm>> -> memref<25600xi32, #tpu.memory_space<hbm>>
      %dma_start3A_102 = tpu.memref_slice %arg2[%mul3A_2] : memref<819200xi32, #tpu.memory_space<hbm>> -> memref<25600xi32, #tpu.memory_space<hbm>>
      tpu.enqueue_dma source(%dma_start3A_102 : memref<25600xi32, #tpu.memory_space<hbm>>) target(%arg5 : memref<25600xi32, #tpu.memory_space<vmem>>) target_semaphore(%run_scoped3A : memref<!tpu.dma_semaphore, #tpu.memory_space<semaphore_mem>>)
      %dma_wait3A_103 = tpu.memref_slice %arg2[%mul3A_2] : memref<819200xi32, #tpu.memory_space<hbm>> -> memref<25600xi32, #tpu.memory_space<hbm>>
      %dma_wait3A_104 = tpu.memref_slice %arg2[%mul3A_2] : memref<819200xi32, #tpu.memory_space<hbm>> -> memref<25600xi32, #tpu.memory_space<hbm>>
      tpu.wait_dma2 semaphore(%run_scoped3A : memref<!tpu.dma_semaphore, #tpu.memory_space<semaphore_mem>>) src(%dma_wait3A_104 : memref<25600xi32, #tpu.memory_space<hbm>>) dst(%arg5 : memref<25600xi32, #tpu.memory_space<vmem>>)
      tpu.yield
    }) : () -> ()
    %multiple_of3A = arith.constant 0 : i32
    %multiple_of3A_3 = tpu.assume_multiple %multiple_of3A, 8 : i32
    %dma_start3A = tpu.memref_slice %arg5[%multiple_of3A_3] : memref<25600xi32, #tpu.memory_space<vmem>> -> memref<200xi32, #tpu.memory_space<vmem>>
    %dma_start3A_4 = arith.constant 0 : i32
    %dma_start3A_5 = arith.constant 0 : i32
    %dma_start3A_6 = tpu.memref_slice %arg3[%dma_start3A_4, %dma_start3A_5] : memref<100000x128xf32, #tpu.memory_space<hbm>> -> memref<100000x128xf32, #tpu.memory_space<hbm>>
    tpu.enqueue_indirect_dma source(%dma_start3A_6 : memref<100000x128xf32, #tpu.memory_space<hbm>>) target(%arg6 : memref<200x128xf32, #tpu.memory_space<vmem>>) offsets(%dma_start3A : memref<200xi32, #tpu.memory_space<vmem>>) semaphore(%arg10 : memref<!tpu.dma_semaphore, #tpu.memory_space<semaphore_mem>>)
    %multiple_of3A_7 = arith.constant 200 : i32
    %multiple_of3A_8 = tpu.assume_multiple %multiple_of3A_7, 8 : i32
    %dma_start3A_9 = tpu.memref_slice %arg5[%multiple_of3A_8] : memref<25600xi32, #tpu.memory_space<vmem>> -> memref<200xi32, #tpu.memory_space<vmem>>
    %dma_start3A_10 = arith.constant 0 : i32
    %dma_start3A_11 = arith.constant 0 : i32
    %dma_start3A_12 = tpu.memref_slice %arg3[%dma_start3A_10, %dma_start3A_11] : memref<100000x128xf32, #tpu.memory_space<hbm>> -> memref<100000x128xf32, #tpu.memory_space<hbm>>
    tpu.enqueue_indirect_dma source(%dma_start3A_12 : memref<100000x128xf32, #tpu.memory_space<hbm>>) target(%arg7 : memref<200x128xf32, #tpu.memory_space<vmem>>) offsets(%dma_start3A_9 : memref<200xi32, #tpu.memory_space<vmem>>) semaphore(%arg11 : memref<!tpu.dma_semaphore, #tpu.memory_space<semaphore_mem>>)
    %multiple_of3A_13 = arith.constant 400 : i32
    %multiple_of3A_14 = tpu.assume_multiple %multiple_of3A_13, 8 : i32
    %dma_start3A_15 = tpu.memref_slice %arg5[%multiple_of3A_14] : memref<25600xi32, #tpu.memory_space<vmem>> -> memref<200xi32, #tpu.memory_space<vmem>>
    %dma_start3A_16 = arith.constant 0 : i32
    %dma_start3A_17 = arith.constant 0 : i32
    %dma_start3A_18 = tpu.memref_slice %arg3[%dma_start3A_16, %dma_start3A_17] : memref<100000x128xf32, #tpu.memory_space<hbm>> -> memref<100000x128xf32, #tpu.memory_space<hbm>>
    tpu.enqueue_indirect_dma source(%dma_start3A_18 : memref<100000x128xf32, #tpu.memory_space<hbm>>) target(%arg8 : memref<200x128xf32, #tpu.memory_space<vmem>>) offsets(%dma_start3A_15 : memref<200xi32, #tpu.memory_space<vmem>>) semaphore(%arg12 : memref<!tpu.dma_semaphore, #tpu.memory_space<semaphore_mem>>)
    %dma_wait3A = arith.constant 0 : i32
    %dma_wait3A_19 = tpu.memref_slice %arg5[%dma_wait3A] : memref<25600xi32, #tpu.memory_space<vmem>> -> memref<200xi32, #tpu.memory_space<vmem>>
    %dma_wait3A_20 = arith.constant 0 : i32
    %dma_wait3A_21 = arith.constant 0 : i32
    %dma_wait3A_22 = tpu.memref_slice %arg3[%dma_wait3A_20, %dma_wait3A_21] : memref<100000x128xf32, #tpu.memory_space<hbm>> -> memref<100000x128xf32, #tpu.memory_space<hbm>>
    tpu.wait_indirect_dma semaphore(%arg10 : memref<!tpu.dma_semaphore, #tpu.memory_space<semaphore_mem>>) src(%dma_wait3A_22 : memref<100000x128xf32, #tpu.memory_space<hbm>>) dst(%arg6 : memref<200x128xf32, #tpu.memory_space<vmem>>)
    %add3A_23 = arith.constant 0 : i32
    %add3A_24 = arith.addi %mul3A_2, %add3A_23 : i32
    %multiple_of3A_25 = tpu.assume_multiple %add3A_24, 8 : i32
    %dma_start3A_26 = arith.constant 0 : i32
    %dma_start3A_27 = tpu.memref_slice %arg4[%multiple_of3A_25, %dma_start3A_26] : memref<819200x128xf32, #tpu.memory_space<hbm>> -> memref<200x128xf32, #tpu.memory_space<hbm>>
    %dma_start3A_28 = arith.constant 0 : i32
    %dma_start3A_29 = tpu.memref_slice %arg4[%multiple_of3A_25, %dma_start3A_28] : memref<819200x128xf32, #tpu.memory_space<hbm>> -> memref<200x128xf32, #tpu.memory_space<hbm>>
    tpu.enqueue_dma source(%arg6 : memref<200x128xf32, #tpu.memory_space<vmem>>) target(%dma_start3A_29 : memref<200x128xf32, #tpu.memory_space<hbm>>) target_semaphore(%arg14 : memref<!tpu.dma_semaphore, #tpu.memory_space<semaphore_mem>>)
    %multiple_of3A_30 = arith.constant 600 : i32
    %multiple_of3A_31 = tpu.assume_multiple %multiple_of3A_30, 8 : i32
    %dma_start3A_32 = tpu.memref_slice %arg5[%multiple_of3A_31] : memref<25600xi32, #tpu.memory_space<vmem>> -> memref<200xi32, #tpu.memory_space<vmem>>
    %dma_start3A_33 = arith.constant 0 : i32
    %dma_start3A_34 = arith.constant 0 : i32
    %dma_start3A_35 = tpu.memref_slice %arg3[%dma_start3A_33, %dma_start3A_34] : memref<100000x128xf32, #tpu.memory_space<hbm>> -> memref<100000x128xf32, #tpu.memory_space<hbm>>
    tpu.enqueue_indirect_dma source(%dma_start3A_35 : memref<100000x128xf32, #tpu.memory_space<hbm>>) target(%arg9 : memref<200x128xf32, #tpu.memory_space<vmem>>) offsets(%dma_start3A_32 : memref<200xi32, #tpu.memory_space<vmem>>) semaphore(%arg13 : memref<!tpu.dma_semaphore, #tpu.memory_space<semaphore_mem>>)
    %dma_wait3A_36 = arith.constant 0 : i32
    %dma_wait3A_37 = tpu.memref_slice %arg5[%dma_wait3A_36] : memref<25600xi32, #tpu.memory_space<vmem>> -> memref<200xi32, #tpu.memory_space<vmem>>
    %dma_wait3A_38 = arith.constant 0 : i32
    %dma_wait3A_39 = arith.constant 0 : i32
    %dma_wait3A_40 = tpu.memref_slice %arg3[%dma_wait3A_38, %dma_wait3A_39] : memref<100000x128xf32, #tpu.memory_space<hbm>> -> memref<100000x128xf32, #tpu.memory_space<hbm>>
    tpu.wait_indirect_dma semaphore(%arg11 : memref<!tpu.dma_semaphore, #tpu.memory_space<semaphore_mem>>) src(%dma_wait3A_40 : memref<100000x128xf32, #tpu.memory_space<hbm>>) dst(%arg7 : memref<200x128xf32, #tpu.memory_space<vmem>>)
    %add3A_41 = arith.constant 200 : i32
    %add3A_42 = arith.addi %mul3A_2, %add3A_41 : i32
    %multiple_of3A_43 = tpu.assume_multiple %add3A_42, 8 : i32
    %dma_start3A_44 = arith.constant 0 : i32
    %dma_start3A_45 = tpu.memref_slice %arg4[%multiple_of3A_43, %dma_start3A_44] : memref<819200x128xf32, #tpu.memory_space<hbm>> -> memref<200x128xf32, #tpu.memory_space<hbm>>
    %dma_start3A_46 = arith.constant 0 : i32
    %dma_start3A_47 = tpu.memref_slice %arg4[%multiple_of3A_43, %dma_start3A_46] : memref<819200x128xf32, #tpu.memory_space<hbm>> -> memref<200x128xf32, #tpu.memory_space<hbm>>
    tpu.enqueue_dma source(%arg7 : memref<200x128xf32, #tpu.memory_space<vmem>>) target(%dma_start3A_47 : memref<200x128xf32, #tpu.memory_space<hbm>>) target_semaphore(%arg15 : memref<!tpu.dma_semaphore, #tpu.memory_space<semaphore_mem>>)
    %scan3A = arith.constant 0 : i32
    %scan3A_48 = arith.constant 0 : i32
    %scan3A_49 = arith.constant 31 : i32
    %scan3A_50 = arith.addi %scan3A_48, %scan3A_49 : i32
    %scan3A_51 = arith.constant 1 : i32
    scf.for %scan3A_101 = %scan3A_48 to %scan3A_50 step %scan3A_51  : i32 {
      %mul3A_102 = arith.constant 4 : i32
      %mul3A_103 = arith.muli %scan3A_101, %mul3A_102 : i32
      %add3A_104 = arith.constant 2 : i32
      %add3A_105 = arith.addi %add3A_104, %mul3A_103 : i32
      %add3A_106 = arith.constant 0 : i32
      %add3A_107 = arith.addi %add3A_105, %add3A_106 : i32
      %dma_wait3A_108 = arith.constant 0 : i32
      %dma_wait3A_109 = arith.constant 0 : i32
      %dma_wait3A_110 = tpu.memref_slice %arg4[%dma_wait3A_108, %dma_wait3A_109] : memref<819200x128xf32, #tpu.memory_space<hbm>> -> memref<200x128xf32, #tpu.memory_space<hbm>>
      %dma_wait3A_111 = arith.constant 0 : i32
      %dma_wait3A_112 = arith.constant 0 : i32
      %dma_wait3A_113 = tpu.memref_slice %arg4[%dma_wait3A_111, %dma_wait3A_112] : memref<819200x128xf32, #tpu.memory_space<hbm>> -> memref<200x128xf32, #tpu.memory_space<hbm>>
      tpu.wait_dma2 semaphore(%arg14 : memref<!tpu.dma_semaphore, #tpu.memory_space<semaphore_mem>>) src(%arg6 : memref<200x128xf32, #tpu.memory_space<vmem>>) dst(%dma_wait3A_113 : memref<200x128xf32, #tpu.memory_space<hbm>>)
      %add3A_114 = arith.constant 2 : i32
      %add3A_115 = arith.addi %add3A_107, %add3A_114 : i32
      %mul3A_116 = arith.constant 200 : i32
      %mul3A_117 = arith.muli %add3A_115, %mul3A_116 : i32
      %multiple_of3A_118 = tpu.assume_multiple %mul3A_117, 8 : i32
      %dma_start3A_119 = tpu.memref_slice %arg5[%multiple_of3A_118] : memref<25600xi32, #tpu.memory_space<vmem>> -> memref<200xi32, #tpu.memory_space<vmem>>
      %dma_start3A_120 = arith.constant 0 : i32
      %dma_start3A_121 = arith.constant 0 : i32
      %dma_start3A_122 = tpu.memref_slice %arg3[%dma_start3A_120, %dma_start3A_121] : memref<100000x128xf32, #tpu.memory_space<hbm>> -> memref<100000x128xf32, #tpu.memory_space<hbm>>
      tpu.enqueue_indirect_dma source(%dma_start3A_122 : memref<100000x128xf32, #tpu.memory_space<hbm>>) target(%arg6 : memref<200x128xf32, #tpu.memory_space<vmem>>) offsets(%dma_start3A_119 : memref<200xi32, #tpu.memory_space<vmem>>) semaphore(%arg10 : memref<!tpu.dma_semaphore, #tpu.memory_space<semaphore_mem>>)
      %dma_wait3A_123 = arith.constant 0 : i32
      %dma_wait3A_124 = tpu.memref_slice %arg5[%dma_wait3A_123] : memref<25600xi32, #tpu.memory_space<vmem>> -> memref<200xi32, #tpu.memory_space<vmem>>
      %dma_wait3A_125 = arith.constant 0 : i32
      %dma_wait3A_126 = arith.constant 0 : i32
      %dma_wait3A_127 = tpu.memref_slice %arg3[%dma_wait3A_125, %dma_wait3A_126] : memref<100000x128xf32, #tpu.memory_space<hbm>> -> memref<100000x128xf32, #tpu.memory_space<hbm>>
      tpu.wait_indirect_dma semaphore(%arg12 : memref<!tpu.dma_semaphore, #tpu.memory_space<semaphore_mem>>) src(%dma_wait3A_127 : memref<100000x128xf32, #tpu.memory_space<hbm>>) dst(%arg8 : memref<200x128xf32, #tpu.memory_space<vmem>>)
      %mul3A_128 = arith.constant 200 : i32
      %mul3A_129 = arith.muli %add3A_107, %mul3A_128 : i32
      %add3A_130 = arith.addi %mul3A_2, %mul3A_129 : i32
      %multiple_of3A_131 = tpu.assume_multiple %add3A_130, 8 : i32
      %dma_start3A_132 = arith.constant 0 : i32
      %dma_start3A_133 = tpu.memref_slice %arg4[%multiple_of3A_131, %dma_start3A_132] : memref<819200x128xf32, #tpu.memory_space<hbm>> -> memref<200x128xf32, #tpu.memory_space<hbm>>
      %dma_start3A_134 = arith.constant 0 : i32
      %dma_start3A_135 = tpu.memref_slice %arg4[%multiple_of3A_131, %dma_start3A_134] : memref<819200x128xf32, #tpu.memory_space<hbm>> -> memref<200x128xf32, #tpu.memory_space<hbm>>
      tpu.enqueue_dma source(%arg8 : memref<200x128xf32, #tpu.memory_space<vmem>>) target(%dma_start3A_135 : memref<200x128xf32, #tpu.memory_space<hbm>>) target_semaphore(%arg16 : memref<!tpu.dma_semaphore, #tpu.memory_space<semaphore_mem>>)
      %mul3A_136 = arith.constant 4 : i32
      %mul3A_137 = arith.muli %scan3A_101, %mul3A_136 : i32
      %add3A_138 = arith.constant 2 : i32
      %add3A_139 = arith.addi %add3A_138, %mul3A_137 : i32
      %add3A_140 = arith.constant 1 : i32
      %add3A_141 = arith.addi %add3A_139, %add3A_140 : i32
      %dma_wait3A_142 = arith.constant 0 : i32
      %dma_wait3A_143 = arith.constant 0 : i32
      %dma_wait3A_144 = tpu.memref_slice %arg4[%dma_wait3A_142, %dma_wait3A_143] : memref<819200x128xf32, #tpu.memory_space<hbm>> -> memref<200x128xf32, #tpu.memory_space<hbm>>
      %dma_wait3A_145 = arith.constant 0 : i32
      %dma_wait3A_146 = arith.constant 0 : i32
      %dma_wait3A_147 = tpu.memref_slice %arg4[%dma_wait3A_145, %dma_wait3A_146] : memref<819200x128xf32, #tpu.memory_space<hbm>> -> memref<200x128xf32, #tpu.memory_space<hbm>>
      tpu.wait_dma2 semaphore(%arg15 : memref<!tpu.dma_semaphore, #tpu.memory_space<semaphore_mem>>) src(%arg7 : memref<200x128xf32, #tpu.memory_space<vmem>>) dst(%dma_wait3A_147 : memref<200x128xf32, #tpu.memory_space<hbm>>)
      %add3A_148 = arith.constant 2 : i32
      %add3A_149 = arith.addi %add3A_141, %add3A_148 : i32
      %mul3A_150 = arith.constant 200 : i32
      %mul3A_151 = arith.muli %add3A_149, %mul3A_150 : i32
      %multiple_of3A_152 = tpu.assume_multiple %mul3A_151, 8 : i32
      %dma_start3A_153 = tpu.memref_slice %arg5[%multiple_of3A_152] : memref<25600xi32, #tpu.memory_space<vmem>> -> memref<200xi32, #tpu.memory_space<vmem>>
      %dma_start3A_154 = arith.constant 0 : i32
      %dma_start3A_155 = arith.constant 0 : i32
      %dma_start3A_156 = tpu.memref_slice %arg3[%dma_start3A_154, %dma_start3A_155] : memref<100000x128xf32, #tpu.memory_space<hbm>> -> memref<100000x128xf32, #tpu.memory_space<hbm>>
      tpu.enqueue_indirect_dma source(%dma_start3A_156 : memref<100000x128xf32, #tpu.memory_space<hbm>>) target(%arg7 : memref<200x128xf32, #tpu.memory_space<vmem>>) offsets(%dma_start3A_153 : memref<200xi32, #tpu.memory_space<vmem>>) semaphore(%arg11 : memref<!tpu.dma_semaphore, #tpu.memory_space<semaphore_mem>>)
      %dma_wait3A_157 = arith.constant 0 : i32
      %dma_wait3A_158 = tpu.memref_slice %arg5[%dma_wait3A_157] : memref<25600xi32, #tpu.memory_space<vmem>> -> memref<200xi32, #tpu.memory_space<vmem>>
      %dma_wait3A_159 = arith.constant 0 : i32
      %dma_wait3A_160 = arith.constant 0 : i32
      %dma_wait3A_161 = tpu.memref_slice %arg3[%dma_wait3A_159, %dma_wait3A_160] : memref<100000x128xf32, #tpu.memory_space<hbm>> -> memref<100000x128xf32, #tpu.memory_space<hbm>>
      tpu.wait_indirect_dma semaphore(%arg13 : memref<!tpu.dma_semaphore, #tpu.memory_space<semaphore_mem>>) src(%dma_wait3A_161 : memref<100000x128xf32, #tpu.memory_space<hbm>>) dst(%arg9 : memref<200x128xf32, #tpu.memory_space<vmem>>)
      %mul3A_162 = arith.constant 200 : i32
      %mul3A_163 = arith.muli %add3A_141, %mul3A_162 : i32
      %add3A_164 = arith.addi %mul3A_2, %mul3A_163 : i32
      %multiple_of3A_165 = tpu.assume_multiple %add3A_164, 8 : i32
      %dma_start3A_166 = arith.constant 0 : i32
      %dma_start3A_167 = tpu.memref_slice %arg4[%multiple_of3A_165, %dma_start3A_166] : memref<819200x128xf32, #tpu.memory_space<hbm>> -> memref<200x128xf32, #tpu.memory_space<hbm>>
      %dma_start3A_168 = arith.constant 0 : i32
      %dma_start3A_169 = tpu.memref_slice %arg4[%multiple_of3A_165, %dma_start3A_168] : memref<819200x128xf32, #tpu.memory_space<hbm>> -> memref<200x128xf32, #tpu.memory_space<hbm>>
      tpu.enqueue_dma source(%arg9 : memref<200x128xf32, #tpu.memory_space<vmem>>) target(%dma_start3A_169 : memref<200x128xf32, #tpu.memory_space<hbm>>) target_semaphore(%arg17 : memref<!tpu.dma_semaphore, #tpu.memory_space<semaphore_mem>>)
      %mul3A_170 = arith.constant 4 : i32
      %mul3A_171 = arith.muli %scan3A_101, %mul3A_170 : i32
      %add3A_172 = arith.constant 2 : i32
      %add3A_173 = arith.addi %add3A_172, %mul3A_171 : i32
      %add3A_174 = arith.constant 2 : i32
      %add3A_175 = arith.addi %add3A_173, %add3A_174 : i32
      %dma_wait3A_176 = arith.constant 0 : i32
      %dma_wait3A_177 = arith.constant 0 : i32
      %dma_wait3A_178 = tpu.memref_slice %arg4[%dma_wait3A_176, %dma_wait3A_177] : memref<819200x128xf32, #tpu.memory_space<hbm>> -> memref<200x128xf32, #tpu.memory_space<hbm>>
      %dma_wait3A_179 = arith.constant 0 : i32
      %dma_wait3A_180 = arith.constant 0 : i32
      %dma_wait3A_181 = tpu.memref_slice %arg4[%dma_wait3A_179, %dma_wait3A_180] : memref<819200x128xf32, #tpu.memory_space<hbm>> -> memref<200x128xf32, #tpu.memory_space<hbm>>
      tpu.wait_dma2 semaphore(%arg16 : memref<!tpu.dma_semaphore, #tpu.memory_space<semaphore_mem>>) src(%arg8 : memref<200x128xf32, #tpu.memory_space<vmem>>) dst(%dma_wait3A_181 : memref<200x128xf32, #tpu.memory_space<hbm>>)
      %add3A_182 = arith.constant 2 : i32
      %add3A_183 = arith.addi %add3A_175, %add3A_182 : i32
      %mul3A_184 = arith.constant 200 : i32
      %mul3A_185 = arith.muli %add3A_183, %mul3A_184 : i32
      %multiple_of3A_186 = tpu.assume_multiple %mul3A_185, 8 : i32
      %dma_start3A_187 = tpu.memref_slice %arg5[%multiple_of3A_186] : memref<25600xi32, #tpu.memory_space<vmem>> -> memref<200xi32, #tpu.memory_space<vmem>>
      %dma_start3A_188 = arith.constant 0 : i32
      %dma_start3A_189 = arith.constant 0 : i32
      %dma_start3A_190 = tpu.memref_slice %arg3[%dma_start3A_188, %dma_start3A_189] : memref<100000x128xf32, #tpu.memory_space<hbm>> -> memref<100000x128xf32, #tpu.memory_space<hbm>>
      tpu.enqueue_indirect_dma source(%dma_start3A_190 : memref<100000x128xf32, #tpu.memory_space<hbm>>) target(%arg8 : memref<200x128xf32, #tpu.memory_space<vmem>>) offsets(%dma_start3A_187 : memref<200xi32, #tpu.memory_space<vmem>>) semaphore(%arg12 : memref<!tpu.dma_semaphore, #tpu.memory_space<semaphore_mem>>)
      %dma_wait3A_191 = arith.constant 0 : i32
      %dma_wait3A_192 = tpu.memref_slice %arg5[%dma_wait3A_191] : memref<25600xi32, #tpu.memory_space<vmem>> -> memref<200xi32, #tpu.memory_space<vmem>>
      %dma_wait3A_193 = arith.constant 0 : i32
      %dma_wait3A_194 = arith.constant 0 : i32
      %dma_wait3A_195 = tpu.memref_slice %arg3[%dma_wait3A_193, %dma_wait3A_194] : memref<100000x128xf32, #tpu.memory_space<hbm>> -> memref<100000x128xf32, #tpu.memory_space<hbm>>
      tpu.wait_indirect_dma semaphore(%arg10 : memref<!tpu.dma_semaphore, #tpu.memory_space<semaphore_mem>>) src(%dma_wait3A_195 : memref<100000x128xf32, #tpu.memory_space<hbm>>) dst(%arg6 : memref<200x128xf32, #tpu.memory_space<vmem>>)
      %mul3A_196 = arith.constant 200 : i32
      %mul3A_197 = arith.muli %add3A_175, %mul3A_196 : i32
      %add3A_198 = arith.addi %mul3A_2, %mul3A_197 : i32
      %multiple_of3A_199 = tpu.assume_multiple %add3A_198, 8 : i32
      %dma_start3A_200 = arith.constant 0 : i32
      %dma_start3A_201 = tpu.memref_slice %arg4[%multiple_of3A_199, %dma_start3A_200] : memref<819200x128xf32, #tpu.memory_space<hbm>> -> memref<200x128xf32, #tpu.memory_space<hbm>>
      %dma_start3A_202 = arith.constant 0 : i32
      %dma_start3A_203 = tpu.memref_slice %arg4[%multiple_of3A_199, %dma_start3A_202] : memref<819200x128xf32, #tpu.memory_space<hbm>> -> memref<200x128xf32, #tpu.memory_space<hbm>>
      tpu.enqueue_dma source(%arg6 : memref<200x128xf32, #tpu.memory_space<vmem>>) target(%dma_start3A_203 : memref<200x128xf32, #tpu.memory_space<hbm>>) target_semaphore(%arg14 : memref<!tpu.dma_semaphore, #tpu.memory_space<semaphore_mem>>)
      %mul3A_204 = arith.constant 4 : i32
      %mul3A_205 = arith.muli %scan3A_101, %mul3A_204 : i32
      %add3A_206 = arith.constant 2 : i32
      %add3A_207 = arith.addi %add3A_206, %mul3A_205 : i32
      %add3A_208 = arith.constant 3 : i32
      %add3A_209 = arith.addi %add3A_207, %add3A_208 : i32
      %dma_wait3A_210 = arith.constant 0 : i32
      %dma_wait3A_211 = arith.constant 0 : i32
      %dma_wait3A_212 = tpu.memref_slice %arg4[%dma_wait3A_210, %dma_wait3A_211] : memref<819200x128xf32, #tpu.memory_space<hbm>> -> memref<200x128xf32, #tpu.memory_space<hbm>>
      %dma_wait3A_213 = arith.constant 0 : i32
      %dma_wait3A_214 = arith.constant 0 : i32
      %dma_wait3A_215 = tpu.memref_slice %arg4[%dma_wait3A_213, %dma_wait3A_214] : memref<819200x128xf32, #tpu.memory_space<hbm>> -> memref<200x128xf32, #tpu.memory_space<hbm>>
      tpu.wait_dma2 semaphore(%arg17 : memref<!tpu.dma_semaphore, #tpu.memory_space<semaphore_mem>>) src(%arg9 : memref<200x128xf32, #tpu.memory_space<vmem>>) dst(%dma_wait3A_215 : memref<200x128xf32, #tpu.memory_space<hbm>>)
      %add3A_216 = arith.constant 2 : i32
      %add3A_217 = arith.addi %add3A_209, %add3A_216 : i32
      %mul3A_218 = arith.constant 200 : i32
      %mul3A_219 = arith.muli %add3A_217, %mul3A_218 : i32
      %multiple_of3A_220 = tpu.assume_multiple %mul3A_219, 8 : i32
      %dma_start3A_221 = tpu.memref_slice %arg5[%multiple_of3A_220] : memref<25600xi32, #tpu.memory_space<vmem>> -> memref<200xi32, #tpu.memory_space<vmem>>
      %dma_start3A_222 = arith.constant 0 : i32
      %dma_start3A_223 = arith.constant 0 : i32
      %dma_start3A_224 = tpu.memref_slice %arg3[%dma_start3A_222, %dma_start3A_223] : memref<100000x128xf32, #tpu.memory_space<hbm>> -> memref<100000x128xf32, #tpu.memory_space<hbm>>
      tpu.enqueue_indirect_dma source(%dma_start3A_224 : memref<100000x128xf32, #tpu.memory_space<hbm>>) target(%arg9 : memref<200x128xf32, #tpu.memory_space<vmem>>) offsets(%dma_start3A_221 : memref<200xi32, #tpu.memory_space<vmem>>) semaphore(%arg13 : memref<!tpu.dma_semaphore, #tpu.memory_space<semaphore_mem>>)
      %dma_wait3A_225 = arith.constant 0 : i32
      %dma_wait3A_226 = tpu.memref_slice %arg5[%dma_wait3A_225] : memref<25600xi32, #tpu.memory_space<vmem>> -> memref<200xi32, #tpu.memory_space<vmem>>
      %dma_wait3A_227 = arith.constant 0 : i32
      %dma_wait3A_228 = arith.constant 0 : i32
      %dma_wait3A_229 = tpu.memref_slice %arg3[%dma_wait3A_227, %dma_wait3A_228] : memref<100000x128xf32, #tpu.memory_space<hbm>> -> memref<100000x128xf32, #tpu.memory_space<hbm>>
      tpu.wait_indirect_dma semaphore(%arg11 : memref<!tpu.dma_semaphore, #tpu.memory_space<semaphore_mem>>) src(%dma_wait3A_229 : memref<100000x128xf32, #tpu.memory_space<hbm>>) dst(%arg7 : memref<200x128xf32, #tpu.memory_space<vmem>>)
      %mul3A_230 = arith.constant 200 : i32
      %mul3A_231 = arith.muli %add3A_209, %mul3A_230 : i32
      %add3A_232 = arith.addi %mul3A_2, %mul3A_231 : i32
      %multiple_of3A_233 = tpu.assume_multiple %add3A_232, 8 : i32
      %dma_start3A_234 = arith.constant 0 : i32
      %dma_start3A_235 = tpu.memref_slice %arg4[%multiple_of3A_233, %dma_start3A_234] : memref<819200x128xf32, #tpu.memory_space<hbm>> -> memref<200x128xf32, #tpu.memory_space<hbm>>
      %dma_start3A_236 = arith.constant 0 : i32
      %dma_start3A_237 = tpu.memref_slice %arg4[%multiple_of3A_233, %dma_start3A_236] : memref<819200x128xf32, #tpu.memory_space<hbm>> -> memref<200x128xf32, #tpu.memory_space<hbm>>
      tpu.enqueue_dma source(%arg7 : memref<200x128xf32, #tpu.memory_space<vmem>>) target(%dma_start3A_237 : memref<200x128xf32, #tpu.memory_space<hbm>>) target_semaphore(%arg15 : memref<!tpu.dma_semaphore, #tpu.memory_space<semaphore_mem>>)
    }
    %scan3A_52 = arith.constant 31 : i32
    %dma_wait3A_53 = arith.constant 0 : i32
    %dma_wait3A_54 = tpu.memref_slice %arg5[%dma_wait3A_53] : memref<25600xi32, #tpu.memory_space<vmem>> -> memref<200xi32, #tpu.memory_space<vmem>>
    %dma_wait3A_55 = arith.constant 0 : i32
    %dma_wait3A_56 = arith.constant 0 : i32
    %dma_wait3A_57 = tpu.memref_slice %arg3[%dma_wait3A_55, %dma_wait3A_56] : memref<100000x128xf32, #tpu.memory_space<hbm>> -> memref<100000x128xf32, #tpu.memory_space<hbm>>
    tpu.wait_indirect_dma semaphore(%arg12 : memref<!tpu.dma_semaphore, #tpu.memory_space<semaphore_mem>>) src(%dma_wait3A_57 : memref<100000x128xf32, #tpu.memory_space<hbm>>) dst(%arg8 : memref<200x128xf32, #tpu.memory_space<vmem>>)
    %add3A_58 = arith.constant 25200 : i32
    %add3A_59 = arith.addi %mul3A_2, %add3A_58 : i32
    %multiple_of3A_60 = tpu.assume_multiple %add3A_59, 8 : i32
    %dma_start3A_61 = arith.constant 0 : i32
    %dma_start3A_62 = tpu.memref_slice %arg4[%multiple_of3A_60, %dma_start3A_61] : memref<819200x128xf32, #tpu.memory_space<hbm>> -> memref<200x128xf32, #tpu.memory_space<hbm>>
    %dma_start3A_63 = arith.constant 0 : i32
    %dma_start3A_64 = tpu.memref_slice %arg4[%multiple_of3A_60, %dma_start3A_63] : memref<819200x128xf32, #tpu.memory_space<hbm>> -> memref<200x128xf32, #tpu.memory_space<hbm>>
    tpu.enqueue_dma source(%arg8 : memref<200x128xf32, #tpu.memory_space<vmem>>) target(%dma_start3A_64 : memref<200x128xf32, #tpu.memory_space<hbm>>) target_semaphore(%arg16 : memref<!tpu.dma_semaphore, #tpu.memory_space<semaphore_mem>>)
    %dma_wait3A_65 = arith.constant 0 : i32
    %dma_wait3A_66 = tpu.memref_slice %arg5[%dma_wait3A_65] : memref<25600xi32, #tpu.memory_space<vmem>> -> memref<200xi32, #tpu.memory_space<vmem>>
    %dma_wait3A_67 = arith.constant 0 : i32
    %dma_wait3A_68 = arith.constant 0 : i32
    %dma_wait3A_69 = tpu.memref_slice %arg3[%dma_wait3A_67, %dma_wait3A_68] : memref<100000x128xf32, #tpu.memory_space<hbm>> -> memref<100000x128xf32, #tpu.memory_space<hbm>>
    tpu.wait_indirect_dma semaphore(%arg13 : memref<!tpu.dma_semaphore, #tpu.memory_space<semaphore_mem>>) src(%dma_wait3A_69 : memref<100000x128xf32, #tpu.memory_space<hbm>>) dst(%arg9 : memref<200x128xf32, #tpu.memory_space<vmem>>)
    %add3A_70 = arith.constant 25400 : i32
    %add3A_71 = arith.addi %mul3A_2, %add3A_70 : i32
    %multiple_of3A_72 = tpu.assume_multiple %add3A_71, 8 : i32
    %dma_start3A_73 = arith.constant 0 : i32
    %dma_start3A_74 = tpu.memref_slice %arg4[%multiple_of3A_72, %dma_start3A_73] : memref<819200x128xf32, #tpu.memory_space<hbm>> -> memref<200x128xf32, #tpu.memory_space<hbm>>
    %dma_start3A_75 = arith.constant 0 : i32
    %dma_start3A_76 = tpu.memref_slice %arg4[%multiple_of3A_72, %dma_start3A_75] : memref<819200x128xf32, #tpu.memory_space<hbm>> -> memref<200x128xf32, #tpu.memory_space<hbm>>
    tpu.enqueue_dma source(%arg9 : memref<200x128xf32, #tpu.memory_space<vmem>>) target(%dma_start3A_76 : memref<200x128xf32, #tpu.memory_space<hbm>>) target_semaphore(%arg17 : memref<!tpu.dma_semaphore, #tpu.memory_space<semaphore_mem>>)
    %dma_wait3A_77 = arith.constant 0 : i32
    %dma_wait3A_78 = arith.constant 0 : i32
    %dma_wait3A_79 = tpu.memref_slice %arg4[%dma_wait3A_77, %dma_wait3A_78] : memref<819200x128xf32, #tpu.memory_space<hbm>> -> memref<200x128xf32, #tpu.memory_space<hbm>>
    %dma_wait3A_80 = arith.constant 0 : i32
    %dma_wait3A_81 = arith.constant 0 : i32
    %dma_wait3A_82 = tpu.memref_slice %arg4[%dma_wait3A_80, %dma_wait3A_81] : memref<819200x128xf32, #tpu.memory_space<hbm>> -> memref<200x128xf32, #tpu.memory_space<hbm>>
    tpu.wait_dma2 semaphore(%arg14 : memref<!tpu.dma_semaphore, #tpu.memory_space<semaphore_mem>>) src(%arg6 : memref<200x128xf32, #tpu.memory_space<vmem>>) dst(%dma_wait3A_82 : memref<200x128xf32, #tpu.memory_space<hbm>>)
    %dma_wait3A_83 = arith.constant 0 : i32
    %dma_wait3A_84 = arith.constant 0 : i32
    %dma_wait3A_85 = tpu.memref_slice %arg4[%dma_wait3A_83, %dma_wait3A_84] : memref<819200x128xf32, #tpu.memory_space<hbm>> -> memref<200x128xf32, #tpu.memory_space<hbm>>
    %dma_wait3A_86 = arith.constant 0 : i32
    %dma_wait3A_87 = arith.constant 0 : i32
    %dma_wait3A_88 = tpu.memref_slice %arg4[%dma_wait3A_86, %dma_wait3A_87] : memref<819200x128xf32, #tpu.memory_space<hbm>> -> memref<200x128xf32, #tpu.memory_space<hbm>>
    tpu.wait_dma2 semaphore(%arg15 : memref<!tpu.dma_semaphore, #tpu.memory_space<semaphore_mem>>) src(%arg7 : memref<200x128xf32, #tpu.memory_space<vmem>>) dst(%dma_wait3A_88 : memref<200x128xf32, #tpu.memory_space<hbm>>)
    %dma_wait3A_89 = arith.constant 0 : i32
    %dma_wait3A_90 = arith.constant 0 : i32
    %dma_wait3A_91 = tpu.memref_slice %arg4[%dma_wait3A_89, %dma_wait3A_90] : memref<819200x128xf32, #tpu.memory_space<hbm>> -> memref<200x128xf32, #tpu.memory_space<hbm>>
    %dma_wait3A_92 = arith.constant 0 : i32
    %dma_wait3A_93 = arith.constant 0 : i32
    %dma_wait3A_94 = tpu.memref_slice %arg4[%dma_wait3A_92, %dma_wait3A_93] : memref<819200x128xf32, #tpu.memory_space<hbm>> -> memref<200x128xf32, #tpu.memory_space<hbm>>
    tpu.wait_dma2 semaphore(%arg16 : memref<!tpu.dma_semaphore, #tpu.memory_space<semaphore_mem>>) src(%arg8 : memref<200x128xf32, #tpu.memory_space<vmem>>) dst(%dma_wait3A_94 : memref<200x128xf32, #tpu.memory_space<hbm>>)
    %dma_wait3A_95 = arith.constant 0 : i32
    %dma_wait3A_96 = arith.constant 0 : i32
    %dma_wait3A_97 = tpu.memref_slice %arg4[%dma_wait3A_95, %dma_wait3A_96] : memref<819200x128xf32, #tpu.memory_space<hbm>> -> memref<200x128xf32, #tpu.memory_space<hbm>>
    %dma_wait3A_98 = arith.constant 0 : i32
    %dma_wait3A_99 = arith.constant 0 : i32
    %dma_wait3A_100 = tpu.memref_slice %arg4[%dma_wait3A_98, %dma_wait3A_99] : memref<819200x128xf32, #tpu.memory_space<hbm>> -> memref<200x128xf32, #tpu.memory_space<hbm>>
    tpu.wait_dma2 semaphore(%arg17 : memref<!tpu.dma_semaphore, #tpu.memory_space<semaphore_mem>>) src(%arg9 : memref<200x128xf32, #tpu.memory_space<vmem>>) dst(%dma_wait3A_100 : memref<200x128xf32, #tpu.memory_space<hbm>>)
    return
  }
}

</mosaic_0001>

<sc_bundles>
// kernel: kernel.3.cloned.1.call-start
scs
__scs_entry_jumppad:
0x0: {  	(pc) =	sbr.rel $0x88, $3  }
0x1: {  	(tag) =	ssettag $0x0;
	lr =	simm.s32 $0x1  }
0x2: {  	[smem:$0x3F9F] =	sst lr;
	_ =	strace $0xD0000000  }
0x3: {  	_ = 	snop  }
0x4: {  	_ = 	snop  }
0x5: {  	_ = 	snop  }
0x6: {  	_ = 	snop  }
0x7: {  	_ = 	snop  }
__scs_overlays_trampoline_lowered:
0x8: {  	[smem:$0x3FAE] =	sst s0  }
0x9: {  	[smem:$0x3FAF] =	sst s1  }
0xa: {  	[smem:$0x3FB0] =	sst s2  }
0xb: {  	[smem:$0x3FB1] =	sst s3  }
0xc: {  	[smem:$0x3FB2] =	sst s4  }
0xd: {  	[smem:$0x3FB3] =	sst s5  }
0xe: {  	[smem:$0x3FB4] =	sst s6  }
0xf: {  	[smem:$0x3FB5] =	sst s7  }
0x10: {  	[smem:$0x3FB6] =	sst s8  }
0x11: {  	[smem:$0x3FB7] =	sst s9;
	s0 =	simm.s32 @!p0 $0x0  }
0x12: {  	s1 =	sld [smem:$0x3F9D];
	s0 =	simm.s32 @p0 $0x1  }
0x13: {  	[smem:$0x3FB8] =	sst s0;
	s0 =	simm.s32 @!p1 $0x0  }
0x14: {  	s2 =	sld [smem:$0x3F9C];
	s0 =	simm.s32 @p1 $0x1  }
0x15: {  	[smem:$0x3FB9] =	sst s0;
	s0 =	simm.s32 @!p2 $0x0  }
0x16: {  	s3 =	sld [smem:$0x3FDB];
	s0 =	simm.s32 @p2 $0x1  }
0x17: {  	s4 =	simm.s32 $0x1BF5;
	[smem:$0x3FBB] =	sst s0  }
0x18: {  	s0 =	sld [smem:$0x3F9E];
	_ =	swait.ge [sflag:s4], $0x0  }
0x19: {  	s7 =	sld [smem:$0x3F9F]  }
0x1a: {  	s8 =	sadd.s32 $0xFFFFE003, lr  }
0x1b: {  	s9 =	sadd.s32 $0xFFFFFEF7, lr;
	s5 =	simm.s32 $0xFFFFFFFF;
	p2 =	slt.u32 s8, $0xFFFFF086  }
0x1c: {  	p1 =	slt.u32 s9, $0xF7A;
	s5 =	simm.s32 @!p2 $0x0  }
0x1d: {  	s5 =	simm.s32 @p1 $0x1;
	p0 =	seq.s32 s7, s2  }
0x1e: {  	s7 =	smul.u32 @!p0 $0xF7A, s2;
	p2 =	seq.s32 @!p0 s5, $0x0  }
0x1f: {  	s9 =	smul.u32 $0xF7A, s1;
	s8 =	simm.s32 @!p0 $0x1BF5;
	p2 =	por !p2, p0  }
0x20: {  	[sflag:s8] =	ssyncset.s32 @!p0 $0xFFFFF086;
	s6 =	sadd.s32 @!p0 s3, s7;
	s7 =	simm.s32 @!p0 $0x108  }
0x21: {  	s3 =	sadd.s32 s3, s9;
	s6 =	sadd.s32 @!p0 $0x88, s6;
	s7 =	simm.s32 @p2 $0x1082  }
0x22: {  	[simem:s7], [sflag:s8] =	dma.local @!p0 [hbm:s6], $0xF7A  }
0x23: {  	s9 =	sor.u32 $0xD0000000, s2;
	s6 =	simm.s32 $0x108;
	_ =	swait.ge @!p0 [sflag:s8], $0x0  }
0x24: {  	s3 =	sadd.s32 $0x88, s3;
	s6 =	simm.s32 @!p1 $0x1082;
	[sflag:s4] =	ssyncset.s32 $0xFFFFF086  }
0x25: {  	[simem:s6], [sflag:s4] =	dma.local [hbm:s3], $0xF7A  }
0x26: {  	[smem:$0x3F9F] =	sst s1;
	(tag) =	ssettag s2;
	_ =	strace s9  }
0x27: {  	s1 =	sld [smem:$0x3FAF]  }
0x28: {  	s2 =	sld [smem:$0x3FB0]  }
0x29: {  	s4 =	sld [smem:$0x3FB2]  }
0x2a: {  	p0 =	seq.s32 s5, $0x0;
	s5 =	sld [smem:$0x3FB3]  }
0x2b: {  	s6 =	sld [smem:$0x3FB4]  }
0x2c: {  	s7 =	sld [smem:$0x3FB5]  }
0x2d: {  	s3 =	simm.s32 $0x108;
	s8 =	sld [smem:$0x3FB6]  }
0x2e: {  	s3 =	simm.s32 @!p0 $0x1082;
	s9 =	sld [smem:$0x3FB7]  }
0x2f: {  	lr =	sadd.s32 s0, s3;
	s0 =	sld [smem:$0x3FAE]  }
0x30: {  	s3 =	sld [smem:$0x3FB1]  }
0x31: {  	[smem:$0x3FBA] =	sst s10  }
0x32: {  	s10 =	sld [smem:$0x3FB8];
	_ =	sdelay $0x3  }
0x33: {  	p0 =	seq.s32 s10, $0x1;
	s10 =	sld [smem:$0x3FBA];
	_ =	sdelay $0x3  }
0x34: {  	[smem:$0x3FBA] =	sst s10  }
0x35: {  	s10 =	sld [smem:$0x3FB9];
	_ =	sdelay $0x3  }
0x36: {  	p1 =	seq.s32 s10, $0x1;
	s10 =	sld [smem:$0x3FBA];
	_ =	sdelay $0x3  }
0x37: {  	[smem:$0x3FBA] =	sst s10  }
0x38: {  	s10 =	sld [smem:$0x3FBB]  }
0x39: {  	_ = 	snop;
	(pc) =	sbr.ind lr, $3  }
0x3a: {  	_ = 	snop  }
0x3b: {  	_ = 	snop  }
0x3c: {  	p2 =	seq.s32 s10, $0x1;
	s10 =	sld [smem:$0x3FBA]  }
0x3d: {  	_ =	shalt  }
0x3e: {  	_ =	shalt  }
0x3f: {  	_ =	shalt  }
0x40: {  	_ =	shalt  }
0x41: {  	_ =	shalt  }
0x42: {  	_ =	shalt  }
0x43: {  	_ =	shalt  }
0x44: {  	_ =	shalt  }
0x45: {  	_ =	shalt  }
0x46: {  	_ =	shalt  }
0x47: {  	_ =	shalt  }
0x48: {  	_ =	shalt  }
0x49: {  	_ =	shalt  }
0x4a: {  	_ =	shalt  }
0x4b: {  	_ =	shalt  }
0x4c: {  	_ =	shalt  }
0x4d: {  	_ =	shalt  }
0x4e: {  	_ =	shalt  }
0x4f: {  	_ =	shalt  }
0x50: {  	_ =	shalt  }
0x51: {  	_ =	shalt  }
0x52: {  	_ =	shalt  }
0x53: {  	_ =	shalt  }
0x54: {  	_ =	shalt  }
0x55: {  	_ =	shalt  }
0x56: {  	_ =	shalt  }
0x57: {  	_ =	shalt  }
0x58: {  	_ =	shalt  }
0x59: {  	_ =	shalt  }
0x5a: {  	_ =	shalt  }
0x5b: {  	_ =	shalt  }
0x5c: {  	_ =	shalt  }
0x5d: {  	_ =	shalt  }
0x5e: {  	_ =	shalt  }
0x5f: {  	_ =	shalt  }
0x60: {  	_ =	shalt  }
0x61: {  	_ =	shalt  }
0x62: {  	_ =	shalt  }
0x63: {  	_ =	shalt  }
0x64: {  	_ =	shalt  }
0x65: {  	_ =	shalt  }
0x66: {  	_ =	shalt  }
0x67: {  	_ =	shalt  }
0x68: {  	_ =	shalt  }
0x69: {  	_ =	shalt  }
0x6a: {  	_ =	shalt  }
0x6b: {  	_ =	shalt  }
0x6c: {  	_ =	shalt  }
0x6d: {  	_ =	shalt  }
0x6e: {  	_ =	shalt  }
0x6f: {  	_ =	shalt  }
0x70: {  	_ =	shalt  }
0x71: {  	_ =	shalt  }
0x72: {  	_ =	shalt  }
0x73: {  	_ =	shalt  }
0x74: {  	_ =	shalt  }
0x75: {  	_ =	shalt  }
0x76: {  	_ =	shalt  }
0x77: {  	_ =	shalt  }
0x78: {  	_ =	shalt  }
0x79: {  	_ =	shalt  }
0x7a: {  	_ =	shalt  }
0x7b: {  	_ =	shalt  }
0x7c: {  	_ =	shalt  }
0x7d: {  	_ =	shalt  }
0x7e: {  	_ =	shalt  }
0x7f: {  	_ =	shalt  }
0x80: {  	_ =	shalt  }
0x81: {  	_ =	shalt  }
0x82: {  	_ =	shalt  }
0x83: {  	_ =	shalt  }
0x84: {  	_ =	shalt  }
0x85: {  	_ =	shalt  }
0x86: {  	_ =	shalt  }
0x87: {  	_ =	shalt  }
.Lfunc_end0:
.L_simem_size_0:
called_computation_lowered:
.L_overlay_start_0:
0x88: {  	s2 =	sld [smem:$0x3FD9]  }
0x89: {  	s3 =	sld [smem:$0x3FFE];
	_ =	sdelay $0x1  }
0x8a: {  	s1 =	srdreg.scid  }
0x8b: {  	s0 =	sand.u32 $0x1, s1  }
0x8c: {  	s17 =	sshll.u32 s0, $0xA;
	s2 =	sadd.s32 s3, s2  }
0x8d: {  	s2 =	sadd.s32 s2, s17  }
0x8e: {  	[smem:$0x3FC6] =	sst s2  }
0x8f: {  	_ = 	snop  }
0x90: {  	s2 =	sld [smem:$0x3FC8]  }
0x91: {  	s18 =	sld [smem:$0x3FD0];
	(tm) =	ssettm $0x1  }
0x92: {  	s4 =	sld [smem:$0x3FFB];
	_ =	sdelay $0x3  }
0x93: {  	_ =	strace s4  }
0x94: {  	s4 =	sld [smem:$0x3FFC];
	_ =	sdelay $0x3  }
0x95: {  	_ =	strace s4  }
0x96: {  	s4 =	sld [smem:$0x3FFD];
	_ =	sdelay $0x3  }
0x97: {  	_ =	strace s4  }
0x98: {  	_ =	strace $0x8FFFFFFF  }
0x99: {  	s19 =	sld [smem:$0x3FDB];
	_ =	sdelay $0x1  }
0x9a: {  	s5 =	simm.s32 $_scs_section_size  }
0x9b: {  	s6 =	simm.s32 $_size__tile_overlayer_lowered;
	s7 =	simm.s32 $_tile_overlayer_lowered  }
0x9c: {  	s22 =	simm.s32 $0x1BFF;
	s21 =	sshll.u32 s7, $0x1;
	s4 =	sadd.s32 s5, s19  }
0x9d: {  	s8 =	simm.s32 $0x0;
	s20 =	sshll.u32 s6, $0x1;
	s6 =	sadd.s32 s21, s4  }
0x9e: {  	[timem:s8], [sflag:s22] =	dma.local [hbm:s6], s20  }
0x9f: {  	_ =	swait.ge [sflag:s22], s20  }
0xa0: {  	s5 =	ssub.s32 $0x0, s20;
	[sflag:s22] =	ssyncset.done $0x0  }
0xa1: {  	[sflag:s22] =	ssyncadd.s32 s5;
	_ =	sdelay $0x1  }
0xa2: {  	s23 =	simm.s32 $0x1B8B  }
0xa3: {  	_ =	swait.ge [sflag:s23], $0x1  }
0xa4: {  	[sflag:s23] =	ssyncset.done $0x0  }
0xa5: {  	s25 =	simm.s32 $0x1B8E;
	s24 =	sld [smem:$0x3FFE];
	[sflag:s23] =	ssyncadd.s32 $0xFFFFFFFF  }
0xa6: {  	s26 =	simm.s32 $execute0_lowered;
	[smem:$0x3FD2] =	sst s25  }
0xa7: {  	s6 =	sshll.u32 s26, $0x1;
	_ =	strace $0x80000046;
	[dreg:$0x1] =	wrdreg $0xFFFFFFFF  }
0xa8: {  	s28 =	simm.s32 $_size_execute0_lowered;
	s4 =	sadd.s32 s4, s6;
	[dreg:$0x0] =	wrdreg $0x0  }
0xa9: {  	s6 =	sshll.u32 s28, $0x1;
	[dreg:$0x2] =	wrdreg s4  }
0xaa: {  	[dreg:$0x3] =	wrdreg s6  }
0xab: {  	[dreg:$0x4] =	wrdreg $0xC0  }
0xac: {  	_ =	task [dreg:s8], $0x5FFFF  }
0xad: {  	[dreg:$0x1] =	wrdreg $0xFFFFFFFF  }
0xae: {  	[dreg:$0x0] =	wrdreg $0x60  }
0xaf: {  	[dreg:$0x2] =	wrdreg s24  }
0xb0: {  	[dreg:$0x3] =	wrdreg s2  }
0xb1: {  	[dreg:$0x4] =	wrdreg s18  }
0xb2: {  	[dreg:$0x5] =	wrdreg $0x9  }
0xb3: {  	_ =	task.clear_ibuf [dreg:s8], $0x6FFFF;
	_ =	strace $0x90000046  }
0xb4: {  	s29 =	simm.s32 $0x9;
	_ =	strace $0x80000048  }
0xb5: {  	_ =	swait.ge [sflag:s29], $0x1  }
0xb6: {  	[sflag:s29] =	ssyncadd.s32 $0xFFFFFFFF  }
0xb7: {  	_ =	strace $0x90000048  }
0xb8: {  	_ =	sfence  }
0xb9: {  	s30 =	sld [smem:$0x0];
	_ =	sdelay $0x2  }
0xba: {  	s31 =	sshll.u32 s1, $0xD;
	s1 =	sshrl.u32 s1, $0x2  }
0xbb: {  	s3 =	sand.u32 $0x4000, s31;
	s1 =	sadd.s32 s1, s30  }
0xbc: {  	s0 =	sor.u32 s3, s0;
	s1 =	sshll.u32 s1, $0x11  }
0xbd: {  	s0 =	sor.u32 s1, s0  }
0xbe: {  	s0 =	sadd.s32 $0x8F2B, s0  }
0xbf: {  	[sflag:s0] =	ssyncadd.remote.s32 $0x1  }
0xc0: {  	_ =	sfence.sel $0xFFFF  }
0xc1: {  	[dreg:$0x0] =	wrdreg $0xFFFFFFFF;
	(pc) =	sbr.abs _section_cstart, $3  }
0xc2: {  	[dreg:$0x1] =	wrdreg $0xFFFFFFFF  }
0xc3: {  	_ =	task.clear_ibuf [dreg:s8], $0x2FFFF;
	_ =	strace $0x9FFFFFFF  }
0xc4: {  	(tm) =	ssettm $0x7FFFFFFF  }
0xc5: {  	_ =	shalt  }
tec
execute0_lowered:
.L_overlay_start_1:
0x0: {  	(tag) =	ssettag $0x1  }
0x1: {  	s4 =	rddreg [dreg:$0x0]  }
0x2: {  	s2 =	rddreg [dreg:$0x1]  }
0x3: {  	s1 =	srdreg.scid;
	s0 =	stileid.u32  }
0x4: {  	s8 =	rddreg [dreg:$0x2];
	s3 =	simm.s32 $0x0;
	s13 =	simm.s32 $0x6400  }
0x5: {  	s14 =	simm.s32 $0xC800;
	s15 =	simm.s32 $0x190;
	s16 =	simm.s32 $0x12C00  }
0x6: {  	s17 =	simm.s32 $0x1;
	s18 =	simm.s32 $0x258;
	s19 =	simm.s32 $0x19000  }
0x7: {  	s20 =	simm.s32 $0x2;
	s21 =	simm.s32 $0x5;
	s22 =	simm.s32 $0x3  }
0x8: {  	s23 =	simm.s32 $0x6;
	s24 =	simm.s32 $0x4;
	s25 =	simm.s32 $0x7  }
0x9: {  	s6 =	sand.u32 $0x1, s1;
	s5 =	sshll.u32 s0, $0x1;
	s31 =	smul.u32 $0xC8000, s0  }
0xa: {  	s26 =	simm.s32 $0x8;
	s5 =	sor.u32 s6, s5;
	s12 =	smul.u32 $0x64000, s6  }
0xb: {  	s28 =	simm.s32 $0x0;
	s9 =	ssub.s32 $0x2, s6;
	s7 =	smul.u32 $0x6400, s5  }
0xc: {  	[smem:$0x7FF] =	sst s3;
	s10 =	sshrl.u32 s9, $0x1;
	s11 =	smul.u32 $0x320000, s5  }
0xd: {  	_ =	strace $0x80000047;
	s5 =	smul.u32 $0x64000, s5;
	s9 =	ssub.s32 s9, s10  }
0xe: {  	s10 =	sadd.s32 s31, s8;
	s7 =	sshrl.u32 s7, $0x3;
	s30 =	sshrl.u32 s11, $0x3  }
0xf: {  	s5 =	sadd.s32 s8, s5;
	s9 =	smax.u32 s9, $0x1;
	s10 =	sadd.s32 s12, s10  }
0x10: {  	s12 =	simm.s32 $0xC8;
	s4 =	sadd.s32 s7, s4;
	s11 =	sadd.s32 s8, s30  }
0x11: {  	s6 =	sadd.s32 $0xC80, s5;
	s10 =	sadd.s32 $0x2580, s10;
	s4 =	sadd.s32 $0x400, s4  }
0x12: {  	s7 =	sadd.s32 $0x62700, s11;
	s8 =	sadd.s32 $0x63380, s11;
	s11 =	simm.s32 $0x9  }
.LBB2_1:
0x13: {  	[tilespmem:s3], [sflag:$0x9] =	stream.linear.gather [hbm4b:s4+s3], $0x6400, $0x38;
	[tilespmem:$0x1F400] =	vst v63  }
0x14: {  	_ =	swait.ge [sflag:s11], $0x6400  }
0x15: {  	[sflag:s11] =	ssyncset.done $0x0  }
0x16: {  	[sflag:s11] =	ssyncadd.s32 $0xFFFF9C00  }
0x17: {  	[tilespmem:s13], [sflag:$0x1] =	stream.indirect.gather [hbm4b:s2+s12], $0x80, s3, s12, $0xb8;
	[tilespmem:$0x1F400] =	vst v63  }
0x18: {  	_ = 	snop  }
0x19: {  	[tilespmem:s14], [sflag:$0x2] =	stream.indirect.gather [hbm4b:s2+s12], $0x80, s12, s12, $0xb8;
	[tilespmem:$0x1F400] =	vst v63  }
0x1a: {  	_ = 	snop  }
0x1b: {  	[tilespmem:s16], [sflag:$0x3] =	stream.indirect.gather [hbm4b:s2+s12], $0x80, s15, s12, $0xb8;
	[tilespmem:$0x1F400] =	vst v63  }
0x1c: {  	_ =	swait.ge [sflag:s17], $0x6400  }
0x1d: {  	[sflag:s17] =	ssyncset.done $0x0  }
0x1e: {  	[sflag:s17] =	ssyncadd.s32 $0xFFFF9C00  }
0x1f: {  	[hbm4b:s5+s3] =	stream.linear.scatter [tilespmem:s13], [sflag:$0x5], $0x6400, $0x38;
	[tilespmem:$0x1F400] =	vst v63  }
0x20: {  	_ = 	snop  }
0x21: {  	[tilespmem:s19], [sflag:$0x4] =	stream.indirect.gather [hbm4b:s2+s12], $0x80, s18, s12, $0xb8;
	[tilespmem:$0x1F400] =	vst v63  }
0x22: {  	_ =	swait.ge [sflag:s20], $0x6400  }
0x23: {  	[sflag:s20] =	ssyncset.done $0x0  }
0x24: {  	[sflag:s20] =	ssyncadd.s32 $0xFFFF9C00  }
0x25: {  	[hbm4b:s6+s3] =	stream.linear.scatter [tilespmem:s14], [sflag:$0x6], $0x6400, $0x38;
	[tilespmem:$0x1F400] =	vst v63  }
0x26: {  	_ =	swait.ge [sflag:s21], $0x6400  }
0x27: {  	[sflag:s21] =	ssyncset.done $0x0  }
0x28: {  	s29 =	simm.s32 $0x320;
	[sflag:s21] =	ssyncadd.s32 $0xFFFF9C00  }
0x29: {  	[tilespmem:s13], [sflag:$0x1] =	stream.indirect.gather [hbm4b:s2+s12], $0x80, s29, s12, $0xb8;
	[tilespmem:$0x1F400] =	vst v63  }
0x2a: {  	_ =	swait.ge [sflag:s22], $0x6400  }
0x2b: {  	[sflag:s22] =	ssyncset.done $0x0  }
0x2c: {  	s29 =	sadd.s32 $0xFFFFF380, s10;
	[sflag:s22] =	ssyncadd.s32 $0xFFFF9C00  }
0x2d: {  	[hbm4b:s29+s3] =	stream.linear.scatter [tilespmem:s16], [sflag:$0x7], $0x6400, $0x38;
	[tilespmem:$0x1F400] =	vst v63  }
0x2e: {  	_ =	swait.ge [sflag:s23], $0x6400  }
0x2f: {  	[sflag:s23] =	ssyncset.done $0x0  }
0x30: {  	s29 =	simm.s32 $0x3E8;
	[sflag:s23] =	ssyncadd.s32 $0xFFFF9C00  }
0x31: {  	[tilespmem:s14], [sflag:$0x2] =	stream.indirect.gather [hbm4b:s2+s12], $0x80, s29, s12, $0xb8;
	[tilespmem:$0x1F400] =	vst v63  }
0x32: {  	_ =	swait.ge [sflag:s24], $0x6400  }
0x33: {  	[sflag:s24] =	ssyncset.done $0x0  }
0x34: {  	[sflag:s24] =	ssyncadd.s32 $0xFFFF9C00  }
0x35: {  	[hbm4b:s10+s3] =	stream.linear.scatter [tilespmem:s19], [sflag:$0x8], $0x6400, $0x38;
	[tilespmem:$0x1F400] =	vst v63  }
0x36: {  	_ =	swait.ge [sflag:s25], $0x6400  }
0x37: {  	[sflag:s25] =	ssyncset.done $0x0  }
0x38: {  	s29 =	simm.s32 $0x4B0;
	[sflag:s25] =	ssyncadd.s32 $0xFFFF9C00  }
0x39: {  	[tilespmem:s16], [sflag:$0x3] =	stream.indirect.gather [hbm4b:s2+s12], $0x80, s29, s12, $0xb8;
	[tilespmem:$0x1F400] =	vst v63  }
0x3a: {  	_ =	swait.ge [sflag:s17], $0x6400  }
0x3b: {  	[sflag:s17] =	ssyncset.done $0x0  }
0x3c: {  	s29 =	sadd.s32 $0xC80, s10;
	[sflag:s17] =	ssyncadd.s32 $0xFFFF9C00  }
0x3d: {  	[hbm4b:s29+s3] =	stream.linear.scatter [tilespmem:s13], [sflag:$0x5], $0x6400, $0x38;
	[tilespmem:$0x1F400] =	vst v63  }
0x3e: {  	_ =	swait.ge [sflag:s26], $0x6400  }
0x3f: {  	[sflag:s26] =	ssyncset.done $0x0  }
0x40: {  	s29 =	simm.s32 $0x578;
	[sflag:s26] =	ssyncadd.s32 $0xFFFF9C00  }
0x41: {  	[tilespmem:s19], [sflag:$0x4] =	stream.indirect.gather [hbm4b:s2+s12], $0x80, s29, s12, $0xb8;
	[tilespmem:$0x1F400] =	vst v63  }
0x42: {  	_ =	swait.ge [sflag:s20], $0x6400  }
0x43: {  	s31 =	sadd.s32 $0x1900, s10;
	[sflag:s20] =	ssyncset.done $0x0  }
0x44: {  	s30 =	sadd.s32 $0x3200, s10;
	s29 =	simm.s32 $0xC80;
	[sflag:s20] =	ssyncadd.s32 $0xFFFF9C00  }
.LBB2_2:
0x45: {  	[hbm4b:s31+s3] =	stream.linear.scatter [tilespmem:s14], [sflag:$0x6], $0x6400, $0x38;
	[tilespmem:$0x1F400] =	vst v63  }
0x46: {  	s31 =	smov.u32 s29  }
0x47: {  	p0 =	sne.s32 s29, $0x17700;
	s29 =	sadd.s32 $0xC80, s29;
	_ =	swait.ge [sflag:s21], $0x6400  }
0x48: {  	s31 =	sshra.s32 s31, $0x2;
	[sflag:s21] =	ssyncset.done $0x0  }
0x49: {  	s1 =	sadd.s32 $0x320, s31;
	[sflag:s21] =	ssyncadd.s32 $0xFFFF9C00  }
0x4a: {  	[tilespmem:s13], [sflag:$0x1] =	stream.indirect.gather [hbm4b:s2+s12], $0x80, s1, s12, $0xb8;
	[tilespmem:$0x1F400] =	vst v63  }
0x4b: {  	_ =	swait.ge [sflag:s22], $0x6400  }
0x4c: {  	[sflag:s22] =	ssyncset.done $0x0  }
0x4d: {  	s1 =	sadd.s32 $0xFFFFF380, s30;
	[sflag:s22] =	ssyncadd.s32 $0xFFFF9C00  }
0x4e: {  	[hbm4b:s1+s3] =	stream.linear.scatter [tilespmem:s16], [sflag:$0x7], $0x6400, $0x38;
	[tilespmem:$0x1F400] =	vst v63  }
0x4f: {  	_ =	swait.ge [sflag:s23], $0x6400  }
0x50: {  	[sflag:s23] =	ssyncset.done $0x0  }
0x51: {  	s1 =	sadd.s32 $0x3E8, s31;
	[sflag:s23] =	ssyncadd.s32 $0xFFFF9C00  }
0x52: {  	[tilespmem:s14], [sflag:$0x2] =	stream.indirect.gather [hbm4b:s2+s12], $0x80, s1, s12, $0xb8;
	[tilespmem:$0x1F400] =	vst v63  }
0x53: {  	_ =	swait.ge [sflag:s24], $0x6400  }
0x54: {  	[sflag:s24] =	ssyncset.done $0x0  }
0x55: {  	[sflag:s24] =	ssyncadd.s32 $0xFFFF9C00  }
0x56: {  	[hbm4b:s30+s3] =	stream.linear.scatter [tilespmem:s19], [sflag:$0x8], $0x6400, $0x38;
	[tilespmem:$0x1F400] =	vst v63  }
0x57: {  	_ =	swait.ge [sflag:s25], $0x6400  }
0x58: {  	[sflag:s25] =	ssyncset.done $0x0  }
0x59: {  	s1 =	sadd.s32 $0x4B0, s31;
	[sflag:s25] =	ssyncadd.s32 $0xFFFF9C00  }
0x5a: {  	[tilespmem:s16], [sflag:$0x3] =	stream.indirect.gather [hbm4b:s2+s12], $0x80, s1, s12, $0xb8;
	[tilespmem:$0x1F400] =	vst v63  }
0x5b: {  	_ =	swait.ge [sflag:s17], $0x6400  }
0x5c: {  	[sflag:s17] =	ssyncset.done $0x0  }
0x5d: {  	s1 =	sadd.s32 $0xC80, s30;
	[sflag:s17] =	ssyncadd.s32 $0xFFFF9C00  }
0x5e: {  	[hbm4b:s1+s3] =	stream.linear.scatter [tilespmem:s13], [sflag:$0x5], $0x6400, $0x38;
	[tilespmem:$0x1F400] =	vst v63  }
0x5f: {  	_ =	swait.ge [sflag:s26], $0x6400  }
0x60: {  	[sflag:s26] =	ssyncset.done $0x0  }
.Ltmp0:
0x61: {  	s1 =	sadd.s32 $0x578, s31;
	[sflag:s26] =	ssyncadd.s32 $0xFFFF9C00;
	(pc) =	sbr.rel @p0 .LBB2_2-.Ltmp0, $4  }
0x62: {  	[tilespmem:s19], [sflag:$0x4] =	stream.indirect.gather [hbm4b:s2+s12], $0x80, s1, s12, $0xb8;
	[tilespmem:$0x1F400] =	vst v63  }
0x63: {  	_ =	swait.ge [sflag:s20], $0x6400  }
0x64: {  	[sflag:s20] =	ssyncset.done $0x0  }
0x65: {  	s31 =	sadd.s32 $0x1900, s30;
	s30 =	sadd.s32 $0x3200, s30;
	[sflag:s20] =	ssyncadd.s32 $0xFFFF9C00  }
0x66: {  	[hbm4b:s31+s3] =	stream.linear.scatter [tilespmem:s14], [sflag:$0x6], $0x6400, $0x38;
	[tilespmem:$0x1F400] =	vst v63  }
0x67: {  	_ =	swait.ge [sflag:s22], $0x6400  }
0x68: {  	[sflag:s22] =	ssyncset.done $0x0  }
0x69: {  	[sflag:s22] =	ssyncadd.s32 $0xFFFF9C00  }
0x6a: {  	[hbm4b:s7+s3] =	stream.linear.scatter [tilespmem:s16], [sflag:$0x7], $0x6400, $0x38;
	[tilespmem:$0x1F400] =	vst v63  }
0x6b: {  	_ =	swait.ge [sflag:s24], $0x6400  }
0x6c: {  	[sflag:s24] =	ssyncset.done $0x0  }
0x6d: {  	[sflag:s24] =	ssyncadd.s32 $0xFFFF9C00  }
0x6e: {  	[hbm4b:s8+s3] =	stream.linear.scatter [tilespmem:s19], [sflag:$0x8], $0x6400, $0x38;
	[tilespmem:$0x1F400] =	vst v63  }
0x6f: {  	_ =	swait.ge [sflag:s21], $0x6400  }
0x70: {  	[sflag:s21] =	ssyncset.done $0x0  }
0x71: {  	[sflag:s21] =	ssyncadd.s32 $0xFFFF9C00  }
0x72: {  	_ =	swait.ge [sflag:s23], $0x6400  }
0x73: {  	[sflag:s23] =	ssyncset.done $0x0  }
0x74: {  	s28 =	sadd.s32 $0x1, s28;
	[sflag:s23] =	ssyncadd.s32 $0xFFFF9C00  }
0x75: {  	p0 =	sne.s32 s28, s9;
	_ =	swait.ge [sflag:s25], $0x6400  }
.Ltmp1:
0x76: {  	[sflag:s25] =	ssyncset.done $0x0;
	(pc) =	sbr.rel @p0 .LBB2_1-.Ltmp1, $4  }
0x77: {  	[sflag:s25] =	ssyncadd.s32 $0xFFFF9C00  }
0x78: {  	_ =	swait.ge [sflag:s26], $0x6400  }
0x79: {  	[sflag:s26] =	ssyncset.done $0x0  }
0x7a: {  	[sflag:s26] =	ssyncadd.s32 $0xFFFF9C00  }
0x7b: {  	_ =	sfence.sel $0x180000  }
0x7c: {  	[bflag:$0x0] =	sbarrier.arrive $0xFFFF  }
0x7d: {  	_ =	strace $0x90000047  }
0x7e: {  	[bflag:$0x2] =	sbarrier.arrive $0xFFFF  }
0x7f: {  	p0 =	sne.s32 s0, $0x0;
	s0 =	rddreg [dreg:$0x3]  }
0x80: {  	s0 =	sadd.s32 @!p0 $0x100000, s0  }
0x81: {  	[sflag:s0] =	ssyncadd.tile.s32 @!p0 $0x1;
	_ =	shalt  }
.Lfunc_end2:
_tile_overlayer_lowered:
.L_overlay_start_2:
0x82: {  	(tag) =	ssettag $0x2  }
0x83: {  	s0 =	rddreg [dreg:$0x0];
	s2 =	stileid.u32  }
0x84: {  	s1 =	rddreg [dreg:$0x1];
	p0 =	sne.s32 s2, $0x0  }
0x85: {  	s3 =	rddreg [dreg:$0x2];
	[bflag:$0x3] =	sbarrier.arrive $0xFFFF;
	s2 =	simm.s32 @!p0 $0x1C09  }
0x86: {  	[timem:s3], [sflag:s2] =	dma.local @!p0 [hbm:s0], s1  }
0x87: {  	s0 =	simm.s32 @!p0 $0x9  }
0x88: {  	_ =	swait.ge @!p0 [sflag:s0], s1  }
0x89: {  	s1 =	ssub.s32 @!p0 $0x0, s1;
	[sflag:s0] =	ssyncset.done @!p0 $0x0  }
0x8a: {  	[sflag:s0] =	ssyncadd.s32 @!p0 s1  }
0x8b: {  	[bflag:$0x3] =	sbarrier.arrive $0xFFFF  }
0x8c: {  	_ =	shalt  }

</sc_bundles>
